<compile_context>
chip_gen: v7x
topology: tpu7x:2x2x1
jax: 0.10.2.dev20260603
libtpu: 0.0.44.dev20260713+nightly
codegen_flags: <defaults>
</compile_context>

<pallas_src>
import jax
import jax.numpy as jnp
from jax.experimental import pallas as pl
from jax.experimental.pallas import tpu as pltpu

_B, _S, _V, _K, _D, _H, _E = 64, 32, 8192, 1024, 256, 512, 256
_DEPTH = 2 * _S + 2
_PAD_ID = 0


def _recur_kernel(xe_ref, xm_ref, Wt_ref, Ut_ref, Ws_ref, Us_ref, Wnt_ref,
                  cb0_ref, cb1_ref, cb2_ref, cbT_ref, cbsq_ref,
                  hall_ref, pushes_ref, codes_ref):
    iota_d = jax.lax.broadcasted_iota(jnp.int32, (_B, _DEPTH), 1)
    iota_k = jax.lax.broadcasted_iota(jnp.int32, (_B, _K), 1)
    iota_s = jax.lax.broadcasted_iota(jnp.int32, (_B, _S), 1)
    xm = xm_ref[...]
    Wt = Wt_ref[...]
    Ut = Ut_ref[...]
    Ws = Ws_ref[...]
    Us = Us_ref[...]
    Wnt = Wnt_ref[...]
    cb0 = cb0_ref[...]
    cb1 = cb1_ref[...]
    cb2 = cb2_ref[...]
    cbT = cbT_ref[...]
    cbsq = cbsq_ref[...]

    def gather_rows(idx):
        onehot = (iota_k == idx).astype(jnp.float32)
        g = jnp.dot(onehot, cb0, preferred_element_type=jnp.float32)
        g = g + jnp.dot(onehot, cb1, preferred_element_type=jnp.float32)
        g = g + jnp.dot(onehot, cb2, preferred_element_type=jnp.float32)
        return g

    def quantize(c):
        csq = jnp.sum(c * c, axis=1, keepdims=True)
        dots = jnp.dot(c, cbT, preferred_element_type=jnp.float32,
                       precision=jax.lax.Precision.HIGHEST)
        d2 = (csq + cbsq) - 2.0 * dots
        m1 = jnp.min(d2, axis=1, keepdims=True)
        i1 = jnp.min(jnp.where(d2 == m1, iota_k, _K), axis=1, keepdims=True)
        d2b = jnp.where(iota_k == i1, jnp.float32(jnp.inf), d2)
        m2 = jnp.min(d2b, axis=1, keepdims=True)
        i2 = jnp.min(jnp.where(d2b == m2, iota_k, _K), axis=1, keepdims=True)
        e1 = gather_rows(i1)
        e2 = gather_rows(i2)
        f1 = c - e1
        f2 = c - e2
        dn1 = jnp.sqrt(jnp.sum(f1 * f1, axis=1, keepdims=True))
        dn2 = jnp.sqrt(jnp.sum(f2 * f2, axis=1, keepdims=True))
        better2 = (dn2 < dn1) | ((dn2 == dn1) & (i2 < i1))
        return jnp.where(better2, i2, i1)

    def push(stk, ptr, idx_val, mask):
        do = mask > 0
        sel = (iota_d == ptr) & do
        stk = jnp.where(sel, idx_val, stk)
        ptr = ptr + do.astype(jnp.int32)
        return stk, ptr

    def body(step, carry):
        stk, ptr, h_tok, h_stk = carry
        xe_s = xe_ref[pl.ds(step, 1)].reshape(_B, _E)
        msk = jnp.sum(jnp.where(iota_s == step, xm, 0), axis=1, keepdims=True)

        top_mask = (ptr > 0).astype(jnp.int32)
        idxm1 = jnp.maximum(ptr - 1, 0)
        sel = iota_d == idxm1
        top_idx = jnp.sum(jnp.where(sel, stk, 0), axis=1, keepdims=True)
        ptr = idxm1
        step_mask = msk * top_mask

        onehot = ((iota_k == top_idx) & (top_idx > 0)).astype(jnp.float32)
        top = jnp.dot(onehot, cb0, preferred_element_type=jnp.float32)
        top = top + jnp.dot(onehot, cb1, preferred_element_type=jnp.float32)
        top = top + jnp.dot(onehot, cb2, preferred_element_type=jnp.float32)

        inp = jnp.concatenate([xe_s, top], axis=1)
        h_tok = jnp.dot(inp, Wt) + jnp.dot(h_tok, Ut)
        h_stk = jnp.dot(inp, Ws) + jnp.dot(h_stk, Us)
        h_t = jnp.tanh(h_tok)
        h_nt = jnp.tanh(h_stk)
        cc = jnp.concatenate([h_nt, h_t], axis=1)
        codes = jnp.tanh(jnp.dot(cc, Wnt))

        qi0 = quantize(codes[:, :_D])
        qi1 = quantize(codes[:, _D:])
        q0m = qi0 * step_mask
        q1m = qi1 * step_mask
        stk, ptr = push(stk, ptr, qi0, q0m)
        stk, ptr = push(stk, ptr, qi1, q1m)

        hall_ref[pl.ds(step, 1)] = h_t[None]
        codes_ref[pl.ds(step, 1)] = codes[None]
        pq = jnp.concatenate([q0m[:, :, None], q1m[:, :, None]], axis=2)
        pushes_ref[:, pl.ds(step, 1), :] = pq
        return stk, ptr, h_tok, h_stk

    stk0 = jnp.zeros((_B, _DEPTH), jnp.int32)
    ptr0 = jnp.ones((_B, 1), jnp.int32)
    h0 = jnp.zeros((_B, _H), jnp.float32)
    jax.lax.fori_loop(0, _S, body, (stk0, ptr0, h0, h0))


def _logits_kernel(h_ref, w_ref, b_ref, o_ref):
    h = h_ref[0]
    acc = jnp.dot(h, w_ref[...]) + b_ref[...]
    o_ref[...] = acc.reshape(_B, 1, 1, -1)


def kernel(emb, Wt, Ut, Ws, Us, Wx, Ux, W_pred, b_pred, W_nt, codebook, x):
    del Wx, Ux
    xe = jnp.take(emb, x.T, axis=0)
    xm = (x != _PAD_ID).astype(jnp.int32)
    cbT = codebook.T
    cbsq = jnp.sum(codebook * codebook, axis=1)[None, :]
    msk = jnp.int32(-65536)
    cb0 = jax.lax.bitcast_convert_type(
        jax.lax.bitcast_convert_type(codebook, jnp.int32) & msk, jnp.float32)
    r1 = codebook - cb0
    cb1 = jax.lax.bitcast_convert_type(
        jax.lax.bitcast_convert_type(r1, jnp.int32) & msk, jnp.float32)
    cb2 = r1 - cb1

    hall, pushes, codes_sb = pl.pallas_call(
        _recur_kernel,
        out_shape=(
            jax.ShapeDtypeStruct((_S, _B, _H), jnp.float32),
            jax.ShapeDtypeStruct((_B, _S, 2), jnp.int32),
            jax.ShapeDtypeStruct((_S, _B, 2 * _D), jnp.float32),
        ),
    )(xe, xm, Wt, Ut, Ws, Us, W_nt, cb0, cb1, cb2, cbT, cbsq)

    TV = 512
    logits = pl.pallas_call(
        _logits_kernel,
        grid=(_S, _V // TV),
        in_specs=[
            pl.BlockSpec((1, _B, _H), lambda s, v: (s, 0, 0)),
            pl.BlockSpec((_H, TV), lambda s, v: (0, v)),
            pl.BlockSpec((1, TV), lambda s, v: (0, v)),
        ],
        out_specs=pl.BlockSpec((_B, 1, 1, TV), lambda s, v: (0, s, 0, v)),
        out_shape=jax.ShapeDtypeStruct((_B, _S, 1, _V), jnp.float32),
    )(hall, W_pred, b_pred[None, :])

    logits_all = logits.reshape(_B, _S, _V)
    raw_codes = jnp.transpose(codes_sb, (1, 0, 2)).reshape(_B, _S, 2, _D)
    return logits_all, pushes, raw_codes

# --- scband reference (transcript-rebuilt; emitter-appended) ---
"""Pipeline reference for scband-neural-pda-5720896438735 (READ-ONLY COPY).

The authoritative reference and input builder live on the scoring server;
editing this copy changes nothing except your own understanding.
"""

import jax, jax.numpy as jnp
import numpy as np

B, S, V, K, D, H, E = 64, 32, 8192, 1024, 256, 512, 256
DEPTH = 2 * S + 2
PAD_ID = 0
START_ID = 1


def _stack_push(mem, ptr, val, mask):
    row = jnp.arange(mem.shape[0])
    cur = mem[row, ptr]
    new = jnp.where((mask > 0)[:, None], val, cur)
    mem = mem.at[row, ptr].set(new)
    ptr = ptr + (mask > 0).astype(ptr.dtype)
    return mem, ptr


def _stack_pop(mem, ptr):
    row = jnp.arange(mem.shape[0])
    mask = (ptr > 0).astype(jnp.int32)
    idx = jnp.maximum(ptr - 1, 0)
    top = mem[row, idx]
    ptr = jnp.maximum(ptr - 1, 0)
    return top, mask, mem, ptr


def _quantize(codes, codebook):
    b = codes.shape[0]
    code_rs = codes.reshape(b * 2, 1, D)
    diff = jax.lax.stop_gradient(code_rs) - jax.lax.stop_gradient(codebook)[None, :, :]
    diff_norm = jnp.linalg.norm(diff, axis=2)
    qidx = jnp.argmin(diff_norm, axis=1)
    qcode = jnp.take(codebook, qidx, axis=0)
    return qcode.reshape(b, 2, D), qidx.reshape(b, 2)


def _forward(emb, Wt, Ut, Ws, Us, Wx, Ux, W_pred, b_pred, W_nt, codebook, x):
    x_mask = (x != PAD_ID).astype(jnp.int32)
    mem = jnp.zeros((B, DEPTH, D), jnp.float32)
    ptr = jnp.zeros((B,), jnp.int32)
    # init stack: push stack bottom with mask ones
    mem, ptr = _stack_push(mem, ptr, jnp.zeros((B, D), jnp.float32), jnp.ones((B,), jnp.int32))
    h_tok = jnp.zeros((B, H), jnp.float32)
    h_stk = jnp.zeros((B, H), jnp.float32)
    h_st = jnp.zeros((B, H), jnp.float32)
    logits_steps, push_steps, code_steps = [], [], []
    for step in range(S):
        step_tok = x[:, step]
        top, top_mask, mem, ptr = _stack_pop(mem, ptr)
        step_mask = x_mask[:, step] * top_mask
        step_input = jnp.take(emb, step_tok, axis=0)
        inp = jnp.concatenate([step_input, top], axis=-1)
        h_tok = inp @ Wt + h_tok @ Ut
        h_stk = inp @ Ws + h_stk @ Us
        h_st = inp @ Wx + h_st @ Ux
        h_t = jnp.tanh(h_tok)
        h_nt = jnp.tanh(h_stk)
        codes = jnp.tanh(jnp.concatenate([h_nt, h_t], axis=-1) @ W_nt).reshape(B, 2, D)
        logits = h_t @ W_pred + b_pred
        qcode, qidx = _quantize(codes, codebook)
        push_mask = qidx * step_mask[:, None]
        mem, ptr = _stack_push(mem, ptr, qcode[:, 0, :], push_mask[:, 0])
        mem, ptr = _stack_push(mem, ptr, qcode[:, 1, :], push_mask[:, 1])
        logits_steps.append(logits)
        push_steps.append(push_mask)
        code_steps.append(codes)
    logits_all = jnp.stack(logits_steps, axis=1)
    pushes = jnp.stack(push_steps, axis=1)
    raw_codes = jnp.stack(code_steps, axis=1)
    return logits_all, pushes, raw_codes


def setup_inputs(seed: int = 0):
    key = jax.random.key(seed)
    ks = jax.random.split(key, 12)
    x = jax.random.randint(ks[0], (B, S), 0, V)
    sc = 1.0 / np.sqrt(H)
    emb = jax.random.normal(ks[1], (V, E), jnp.float32) * 0.02
    Wt = jax.random.normal(ks[2], (E + D, H), jnp.float32) * sc
    Ut = jax.random.normal(ks[3], (H, H), jnp.float32) * sc
    Ws = jax.random.normal(ks[4], (E + D, H), jnp.float32) * sc
    Us = jax.random.normal(ks[5], (H, H), jnp.float32) * sc
    Wx = jax.random.normal(ks[6], (E + D, H), jnp.float32) * sc
    Ux = jax.random.normal(ks[7], (H, H), jnp.float32) * sc
    W_pred = jax.random.normal(ks[8], (H, V), jnp.float32) * sc
    b_pred = jnp.zeros((V,), jnp.float32)
    W_nt = jax.random.normal(ks[9], (2 * H, 2 * D), jnp.float32) * (1.0 / np.sqrt(2.0 * H))
    cb = jax.random.normal(ks[10], (K, D), jnp.float32)
    codebook = cb / (jnp.linalg.norm(cb, axis=1, keepdims=True) + 1e-12)
    return {"emb": emb, "Wt": Wt, "Ut": Ut, "Ws": Ws, "Us": Us, "Wx": Wx, "Ux": Ux, "W_pred": W_pred, "b_pred": b_pred, "W_nt": W_nt, "codebook": codebook, "x": x}


def reference(emb, Wt, Ut, Ws, Us, Wx, Ux, W_pred, b_pred, W_nt, codebook, x):
    return _forward(emb, Wt, Ut, Ws, Us, Wx, Ux, W_pred, b_pred, W_nt, codebook, x)

if __name__ == "__main__":
    import jax
    _d = setup_inputs()
    print(jax.jit(kernel)(*tuple(_d.values())))

</pallas_src>

<mosaic_0001>
module attributes {stable_mosaic.version = 14 : i64} {
  func.func @_recur_kernel(%arg0: memref<32x64x256xf32, #tpu.memory_space<vmem>>, %arg1: memref<64x32xi32, #tpu.memory_space<vmem>>, %arg2: memref<512x512xf32, #tpu.memory_space<vmem>>, %arg3: memref<512x512xf32, #tpu.memory_space<vmem>>, %arg4: memref<512x512xf32, #tpu.memory_space<vmem>>, %arg5: memref<512x512xf32, #tpu.memory_space<vmem>>, %arg6: memref<1024x512xf32, #tpu.memory_space<vmem>>, %arg7: memref<1024x256xf32, #tpu.memory_space<vmem>>, %arg8: memref<1024x256xf32, #tpu.memory_space<vmem>>, %arg9: memref<1024x256xf32, #tpu.memory_space<vmem>>, %arg10: memref<256x1024xf32, #tpu.memory_space<vmem>>, %arg11: memref<1x1024xf32, #tpu.memory_space<vmem>>, %arg12: memref<32x64x512xf32, #tpu.memory_space<vmem>>, %arg13: memref<64x32x2xi32, #tpu.memory_space<vmem>>, %arg14: memref<32x64x512xf32, #tpu.memory_space<vmem>>) attributes {dimension_semantics = [], scalar_prefetch = 0 : i64, scratch_operands = 0 : i64, tpu.core_type = #tpu.core_type<tc>} {
    %iota3A = tpu.iota {dimensions = array<i32: 1>} : vector<64x66xi32>
    %iota3A_0 = tpu.iota {dimensions = array<i32: 1>} : vector<64x1024xi32>
    %iota3A_1 = tpu.iota {dimensions = array<i32: 1>} : vector<64x32xi32>
    %get3A = arith.constant 0 : index
    %get3A_2 = arith.constant 0 : index
    %get3A_3 = vector.load %arg1[%get3A, %get3A_2] : memref<64x32xi32, #tpu.memory_space<vmem>>, vector<64x32xi32>
    %get3A_4 = arith.constant 0 : index
    %get3A_5 = arith.constant 0 : index
    %get3A_6 = vector.load %arg2[%get3A_4, %get3A_5] : memref<512x512xf32, #tpu.memory_space<vmem>>, vector<512x512xf32>
    %get3A_7 = arith.constant 0 : index
    %get3A_8 = arith.constant 0 : index
    %get3A_9 = vector.load %arg3[%get3A_7, %get3A_8] : memref<512x512xf32, #tpu.memory_space<vmem>>, vector<512x512xf32>
    %get3A_10 = arith.constant 0 : index
    %get3A_11 = arith.constant 0 : index
    %get3A_12 = vector.load %arg4[%get3A_10, %get3A_11] : memref<512x512xf32, #tpu.memory_space<vmem>>, vector<512x512xf32>
    %get3A_13 = arith.constant 0 : index
    %get3A_14 = arith.constant 0 : index
    %get3A_15 = vector.load %arg5[%get3A_13, %get3A_14] : memref<512x512xf32, #tpu.memory_space<vmem>>, vector<512x512xf32>
    %get3A_16 = arith.constant 0 : index
    %get3A_17 = arith.constant 0 : index
    %get3A_18 = vector.load %arg6[%get3A_16, %get3A_17] : memref<1024x512xf32, #tpu.memory_space<vmem>>, vector<1024x512xf32>
    %get3A_19 = arith.constant 0 : index
    %get3A_20 = arith.constant 0 : index
    %get3A_21 = vector.load %arg7[%get3A_19, %get3A_20] : memref<1024x256xf32, #tpu.memory_space<vmem>>, vector<1024x256xf32>
    %get3A_22 = arith.constant 0 : index
    %get3A_23 = arith.constant 0 : index
    %get3A_24 = vector.load %arg8[%get3A_22, %get3A_23] : memref<1024x256xf32, #tpu.memory_space<vmem>>, vector<1024x256xf32>
    %get3A_25 = arith.constant 0 : index
    %get3A_26 = arith.constant 0 : index
    %get3A_27 = vector.load %arg9[%get3A_25, %get3A_26] : memref<1024x256xf32, #tpu.memory_space<vmem>>, vector<1024x256xf32>
    %get3A_28 = arith.constant 0 : index
    %get3A_29 = arith.constant 0 : index
    %get3A_30 = vector.load %arg10[%get3A_28, %get3A_29] : memref<256x1024xf32, #tpu.memory_space<vmem>>, vector<256x1024xf32>
    %get3A_31 = arith.constant 0 : index
    %get3A_32 = arith.constant 0 : index
    %get3A_33 = vector.load %arg11[%get3A_31, %get3A_32] : memref<1x1024xf32, #tpu.memory_space<vmem>>, vector<1x1024xf32>
    %broadcast_in_dim3A = arith.constant 0 : i32
    %broadcast_in_dim3A_34 = vector.broadcast %broadcast_in_dim3A : i32 to vector<64x66xi32>
    %broadcast_in_dim3A_35 = arith.constant 1 : i32
    %broadcast_in_dim3A_36 = vector.broadcast %broadcast_in_dim3A_35 : i32 to vector<64x1xi32>
    %broadcast_in_dim3A_37 = arith.constant 0.000000e+00 : f32
    %broadcast_in_dim3A_38 = vector.broadcast %broadcast_in_dim3A_37 : f32 to vector<64x512xf32>
    %scan3A = arith.constant 0 : i32
    %scan3A_39 = arith.constant 32 : i32
    %scan3A_40 = arith.addi %scan3A, %scan3A_39 : i32
    %scan3A_41 = arith.constant 1 : i32
    %scan3A_42:4 = scf.for %scan3A_44 = %scan3A to %scan3A_40 step %scan3A_41 iter_args(%scan3A_45 = %broadcast_in_dim3A_34, %scan3A_46 = %broadcast_in_dim3A_36, %scan3A_47 = %broadcast_in_dim3A_38, %scan3A_48 = %broadcast_in_dim3A_38) -> (vector<64x66xi32>, vector<64x1xi32>, vector<64x512xf32>, vector<64x512xf32>)  : i32 {
      %get3A_49 = arith.index_cast %scan3A_44 : i32 to index
      %get3A_50 = arith.constant 0 : index
      %get3A_51 = arith.constant 0 : index
      %get3A_52 = vector.load %arg0[%get3A_49, %get3A_50, %get3A_51] : memref<32x64x256xf32, #tpu.memory_space<vmem>>, vector<1x64x256xf32>
      %reshape3A = vector.shape_cast %get3A_52 : vector<1x64x256xf32> to vector<64x256xf32>
      %eq3A = vector.broadcast %scan3A_44 : i32 to vector<64x32xi32>
      %eq3A_53 = arith.cmpi eq, %iota3A_1, %eq3A : vector<64x32xi32>
      %jit3A = arith.constant 0 : i32
      %broadcast_in_dim3A_54 = vector.broadcast %jit3A : i32 to vector<64x32xi32>
      %select_n3A = arith.select %eq3A_53, %get3A_3, %broadcast_in_dim3A_54 : vector<64x32xi1>, vector<64x32xi32>
      %reduce_sum3A = arith.constant dense<0> : vector<64xi32>
      %reduce_sum3A_55 = vector.multi_reduction <add>, %select_n3A, %reduce_sum3A [1] : vector<64x32xi32> to vector<64xi32>
      %broadcast_in_dim3A_56 = vector.shape_cast %reduce_sum3A_55 : vector<64xi32> to vector<64x1xi32>
      %gt3A = arith.constant 0 : i32
      %gt3A_57 = vector.broadcast %gt3A : i32 to vector<64x1xi32>
      %gt3A_58 = arith.cmpi sgt, %scan3A_46, %gt3A_57 : vector<64x1xi32>
      %convert_element_type3A = arith.extui %gt3A_58 : vector<64x1xi1> to vector<64x1xi32>
      %sub3A = arith.constant 1 : i32
      %sub3A_59 = vector.broadcast %sub3A : i32 to vector<64x1xi32>
      %sub3A_60 = arith.subi %scan3A_46, %sub3A_59 : vector<64x1xi32>
      %max3A = arith.constant 0 : i32
      %max3A_61 = vector.broadcast %max3A : i32 to vector<64x1xi32>
      %max3A_62 = arith.maxsi %sub3A_60, %max3A_61 : vector<64x1xi32>
      %eq3A_63 = vector.broadcast %max3A_62 : vector<64x1xi32> to vector<64x66xi32>
      %eq3A_64 = arith.cmpi eq, %iota3A, %eq3A_63 : vector<64x66xi32>
      %jit3A_65 = arith.constant 0 : i32
      %broadcast_in_dim3A_66 = vector.broadcast %jit3A_65 : i32 to vector<64x66xi32>
      %select_n3A_67 = arith.select %eq3A_64, %scan3A_45, %broadcast_in_dim3A_66 : vector<64x66xi1>, vector<64x66xi32>
      %reduce_sum3A_68 = arith.constant dense<0> : vector<64xi32>
      %reduce_sum3A_69 = vector.multi_reduction <add>, %select_n3A_67, %reduce_sum3A_68 [1] : vector<64x66xi32> to vector<64xi32>
      %broadcast_in_dim3A_70 = vector.shape_cast %reduce_sum3A_69 : vector<64xi32> to vector<64x1xi32>
      %mul3A = arith.muli %broadcast_in_dim3A_56, %convert_element_type3A : vector<64x1xi32>
      %eq3A_71 = vector.broadcast %broadcast_in_dim3A_70 : vector<64x1xi32> to vector<64x1024xi32>
      %eq3A_72 = arith.cmpi eq, %iota3A_0, %eq3A_71 : vector<64x1024xi32>
      %gt3A_73 = arith.constant 0 : i32
      %gt3A_74 = vector.broadcast %gt3A_73 : i32 to vector<64x1xi32>
      %gt3A_75 = arith.cmpi sgt, %broadcast_in_dim3A_70, %gt3A_74 : vector<64x1xi32>
      %and3A = vector.broadcast %gt3A_75 : vector<64x1xi1> to vector<64x1024xi1>
      %and3A_76 = arith.andi %eq3A_72, %and3A : vector<64x1024xi1>
      %convert_element_type3A_77 = arith.extui %and3A_76 : vector<64x1024xi1> to vector<64x1024xi32>
      %convert_element_type3A_78 = arith.sitofp %convert_element_type3A_77 : vector<64x1024xi32> to vector<64x1024xf32>
      %dot_general3A = arith.constant dense<0.000000e+00> : vector<64x256xf32>
      %dot_general3A_79 = tpu.matmul %convert_element_type3A_78, %get3A_21, %dot_general3A {dimension_numbers = #tpu.dot_dimension_numbers<[1], [0], [0], [1], [0, 0, 1, 1], [], []>, transpose_lhs_hint = false} : vector<64x1024xf32>, vector<1024x256xf32>, vector<64x256xf32> -> vector<64x256xf32>
      %dot_general3A_80 = arith.constant dense<0.000000e+00> : vector<64x256xf32>
      %dot_general3A_81 = tpu.matmul %convert_element_type3A_78, %get3A_24, %dot_general3A_80 {dimension_numbers = #tpu.dot_dimension_numbers<[1], [0], [0], [1], [0, 0, 1, 1], [], []>, transpose_lhs_hint = false} : vector<64x1024xf32>, vector<1024x256xf32>, vector<64x256xf32> -> vector<64x256xf32>
      %add3A = arith.addf %dot_general3A_79, %dot_general3A_81 : vector<64x256xf32>
      %dot_general3A_82 = arith.constant dense<0.000000e+00> : vector<64x256xf32>
      %dot_general3A_83 = tpu.matmul %convert_element_type3A_78, %get3A_27, %dot_general3A_82 {dimension_numbers = #tpu.dot_dimension_numbers<[1], [0], [0], [1], [0, 0, 1, 1], [], []>, transpose_lhs_hint = false} : vector<64x1024xf32>, vector<1024x256xf32>, vector<64x256xf32> -> vector<64x256xf32>
      %add3A_84 = arith.addf %add3A, %dot_general3A_83 : vector<64x256xf32>
      %concatenate3A = tpu.concatenate %reshape3A, %add3A_84 in 1 : vector<64x256xf32>, vector<64x256xf32> -> vector<64x512xf32>
      %dot_general3A_85 = arith.constant dense<0.000000e+00> : vector<64x512xf32>
      %dot_general3A_86 = tpu.matmul %concatenate3A, %get3A_6, %dot_general3A_85 {dimension_numbers = #tpu.dot_dimension_numbers<[1], [0], [0], [1], [0, 0, 1, 1], [], []>, transpose_lhs_hint = false} : vector<64x512xf32>, vector<512x512xf32>, vector<64x512xf32> -> vector<64x512xf32>
      %dot_general3A_87 = arith.constant dense<0.000000e+00> : vector<64x512xf32>
      %dot_general3A_88 = tpu.matmul %scan3A_47, %get3A_9, %dot_general3A_87 {dimension_numbers = #tpu.dot_dimension_numbers<[1], [0], [0], [1], [0, 0, 1, 1], [], []>, transpose_lhs_hint = false} : vector<64x512xf32>, vector<512x512xf32>, vector<64x512xf32> -> vector<64x512xf32>
      %add3A_89 = arith.addf %dot_general3A_86, %dot_general3A_88 : vector<64x512xf32>
      %dot_general3A_90 = arith.constant dense<0.000000e+00> : vector<64x512xf32>
      %dot_general3A_91 = tpu.matmul %concatenate3A, %get3A_12, %dot_general3A_90 {dimension_numbers = #tpu.dot_dimension_numbers<[1], [0], [0], [1], [0, 0, 1, 1], [], []>, transpose_lhs_hint = false} : vector<64x512xf32>, vector<512x512xf32>, vector<64x512xf32> -> vector<64x512xf32>
      %dot_general3A_92 = arith.constant dense<0.000000e+00> : vector<64x512xf32>
      %dot_general3A_93 = tpu.matmul %scan3A_48, %get3A_15, %dot_general3A_92 {dimension_numbers = #tpu.dot_dimension_numbers<[1], [0], [0], [1], [0, 0, 1, 1], [], []>, transpose_lhs_hint = false} : vector<64x512xf32>, vector<512x512xf32>, vector<64x512xf32> -> vector<64x512xf32>
      %add3A_94 = arith.addf %dot_general3A_91, %dot_general3A_93 : vector<64x512xf32>
      %tanh3A = math.tanh %add3A_89 : vector<64x512xf32>
      %tanh3A_95 = math.tanh %add3A_94 : vector<64x512xf32>
      %concatenate3A_96 = tpu.concatenate %tanh3A_95, %tanh3A in 1 : vector<64x512xf32>, vector<64x512xf32> -> vector<64x1024xf32>
      %dot_general3A_97 = arith.constant dense<0.000000e+00> : vector<64x512xf32>
      %dot_general3A_98 = tpu.matmul %concatenate3A_96, %get3A_18, %dot_general3A_97 {dimension_numbers = #tpu.dot_dimension_numbers<[1], [0], [0], [1], [0, 0, 1, 1], [], []>, transpose_lhs_hint = false} : vector<64x1024xf32>, vector<1024x512xf32>, vector<64x512xf32> -> vector<64x512xf32>
      %tanh3A_99 = math.tanh %dot_general3A_98 : vector<64x512xf32>
      %slice3A = vector.extract_strided_slice %tanh3A_99 {offsets = [0, 0], sizes = [64, 256], strides = [1, 1]} : vector<64x512xf32> to vector<64x256xf32>
      %mul3A_100 = arith.mulf %slice3A, %slice3A : vector<64x256xf32>
      %reduce_sum3A_101 = arith.constant dense<0.000000e+00> : vector<64xf32>
      %reduce_sum3A_102 = vector.multi_reduction <add>, %mul3A_100, %reduce_sum3A_101 [1] : vector<64x256xf32> to vector<64xf32>
      %broadcast_in_dim3A_103 = vector.shape_cast %reduce_sum3A_102 : vector<64xf32> to vector<64x1xf32>
      %dot_general3A_104 = arith.constant dense<0.000000e+00> : vector<64x1024xf32>
      %dot_general3A_105 = tpu.matmul %slice3A, %get3A_30, %dot_general3A_104 {dimension_numbers = #tpu.dot_dimension_numbers<[1], [0], [0], [1], [0, 0, 1, 1], [], []>, precision = #tpu.contract_precision<fp32>, transpose_lhs_hint = false} : vector<64x256xf32>, vector<256x1024xf32>, vector<64x1024xf32> -> vector<64x1024xf32>
      %add3A_106 = vector.broadcast %broadcast_in_dim3A_103 : vector<64x1xf32> to vector<64x1024xf32>
      %add3A_107 = vector.broadcast %get3A_33 : vector<1x1024xf32> to vector<64x1024xf32>
      %add3A_108 = arith.addf %add3A_106, %add3A_107 : vector<64x1024xf32>
      %mul3A_109 = arith.constant 2.000000e+00 : f32
      %mul3A_110 = vector.broadcast %mul3A_109 : f32 to vector<64x1024xf32>
      %mul3A_111 = arith.mulf %mul3A_110, %dot_general3A_105 : vector<64x1024xf32>
      %sub3A_112 = arith.subf %add3A_108, %mul3A_111 : vector<64x1024xf32>
      %reduce_min3A = arith.constant dense<0x7F800000> : vector<64xf32>
      %reduce_min3A_113 = vector.multi_reduction <minimumf>, %sub3A_112, %reduce_min3A [1] : vector<64x1024xf32> to vector<64xf32>
      %broadcast_in_dim3A_114 = vector.shape_cast %reduce_min3A_113 : vector<64xf32> to vector<64x1xf32>
      %eq3A_115 = vector.broadcast %broadcast_in_dim3A_114 : vector<64x1xf32> to vector<64x1024xf32>
      %eq3A_116 = arith.cmpf oeq, %sub3A_112, %eq3A_115 : vector<64x1024xf32>
      %jit3A_117 = arith.constant 1024 : i32
      %broadcast_in_dim3A_118 = vector.broadcast %jit3A_117 : i32 to vector<64x1024xi32>
      %select_n3A_119 = arith.select %eq3A_116, %iota3A_0, %broadcast_in_dim3A_118 : vector<64x1024xi1>, vector<64x1024xi32>
      %reduce_min3A_120 = arith.constant dense<2147483647> : vector<64xi32>
      %reduce_min3A_121 = vector.multi_reduction <minsi>, %select_n3A_119, %reduce_min3A_120 [1] : vector<64x1024xi32> to vector<64xi32>
      %broadcast_in_dim3A_122 = vector.shape_cast %reduce_min3A_121 : vector<64xi32> to vector<64x1xi32>
      %eq3A_123 = vector.broadcast %broadcast_in_dim3A_122 : vector<64x1xi32> to vector<64x1024xi32>
      %eq3A_124 = arith.cmpi eq, %iota3A_0, %eq3A_123 : vector<64x1024xi32>
      %jit3A_125 = arith.constant 0x7F800000 : f32
      %broadcast_in_dim3A_126 = vector.broadcast %jit3A_125 : f32 to vector<64x1024xf32>
      %select_n3A_127 = arith.select %eq3A_124, %broadcast_in_dim3A_126, %sub3A_112 : vector<64x1024xi1>, vector<64x1024xf32>
      %reduce_min3A_128 = arith.constant dense<0x7F800000> : vector<64xf32>
      %reduce_min3A_129 = vector.multi_reduction <minimumf>, %select_n3A_127, %reduce_min3A_128 [1] : vector<64x1024xf32> to vector<64xf32>
      %broadcast_in_dim3A_130 = vector.shape_cast %reduce_min3A_129 : vector<64xf32> to vector<64x1xf32>
      %eq3A_131 = vector.broadcast %broadcast_in_dim3A_130 : vector<64x1xf32> to vector<64x1024xf32>
      %eq3A_132 = arith.cmpf oeq, %select_n3A_127, %eq3A_131 : vector<64x1024xf32>
      %jit3A_133 = arith.constant 1024 : i32
      %broadcast_in_dim3A_134 = vector.broadcast %jit3A_133 : i32 to vector<64x1024xi32>
      %select_n3A_135 = arith.select %eq3A_132, %iota3A_0, %broadcast_in_dim3A_134 : vector<64x1024xi1>, vector<64x1024xi32>
      %reduce_min3A_136 = arith.constant dense<2147483647> : vector<64xi32>
      %reduce_min3A_137 = vector.multi_reduction <minsi>, %select_n3A_135, %reduce_min3A_136 [1] : vector<64x1024xi32> to vector<64xi32>
      %broadcast_in_dim3A_138 = vector.shape_cast %reduce_min3A_137 : vector<64xi32> to vector<64x1xi32>
      %eq3A_139 = vector.broadcast %broadcast_in_dim3A_122 : vector<64x1xi32> to vector<64x1024xi32>
      %eq3A_140 = arith.cmpi eq, %iota3A_0, %eq3A_139 : vector<64x1024xi32>
      %convert_element_type3A_141 = arith.extui %eq3A_140 : vector<64x1024xi1> to vector<64x1024xi32>
      %convert_element_type3A_142 = arith.sitofp %convert_element_type3A_141 : vector<64x1024xi32> to vector<64x1024xf32>
      %dot_general3A_143 = arith.constant dense<0.000000e+00> : vector<64x256xf32>
      %dot_general3A_144 = tpu.matmul %convert_element_type3A_142, %get3A_21, %dot_general3A_143 {dimension_numbers = #tpu.dot_dimension_numbers<[1], [0], [0], [1], [0, 0, 1, 1], [], []>, transpose_lhs_hint = false} : vector<64x1024xf32>, vector<1024x256xf32>, vector<64x256xf32> -> vector<64x256xf32>
      %dot_general3A_145 = arith.constant dense<0.000000e+00> : vector<64x256xf32>
      %dot_general3A_146 = tpu.matmul %convert_element_type3A_142, %get3A_24, %dot_general3A_145 {dimension_numbers = #tpu.dot_dimension_numbers<[1], [0], [0], [1], [0, 0, 1, 1], [], []>, transpose_lhs_hint = false} : vector<64x1024xf32>, vector<1024x256xf32>, vector<64x256xf32> -> vector<64x256xf32>
      %add3A_147 = arith.addf %dot_general3A_144, %dot_general3A_146 : vector<64x256xf32>
      %dot_general3A_148 = arith.constant dense<0.000000e+00> : vector<64x256xf32>
      %dot_general3A_149 = tpu.matmul %convert_element_type3A_142, %get3A_27, %dot_general3A_148 {dimension_numbers = #tpu.dot_dimension_numbers<[1], [0], [0], [1], [0, 0, 1, 1], [], []>, transpose_lhs_hint = false} : vector<64x1024xf32>, vector<1024x256xf32>, vector<64x256xf32> -> vector<64x256xf32>
      %add3A_150 = arith.addf %add3A_147, %dot_general3A_149 : vector<64x256xf32>
      %eq3A_151 = vector.broadcast %broadcast_in_dim3A_138 : vector<64x1xi32> to vector<64x1024xi32>
      %eq3A_152 = arith.cmpi eq, %iota3A_0, %eq3A_151 : vector<64x1024xi32>
      %convert_element_type3A_153 = arith.extui %eq3A_152 : vector<64x1024xi1> to vector<64x1024xi32>
      %convert_element_type3A_154 = arith.sitofp %convert_element_type3A_153 : vector<64x1024xi32> to vector<64x1024xf32>
      %dot_general3A_155 = arith.constant dense<0.000000e+00> : vector<64x256xf32>
      %dot_general3A_156 = tpu.matmul %convert_element_type3A_154, %get3A_21, %dot_general3A_155 {dimension_numbers = #tpu.dot_dimension_numbers<[1], [0], [0], [1], [0, 0, 1, 1], [], []>, transpose_lhs_hint = false} : vector<64x1024xf32>, vector<1024x256xf32>, vector<64x256xf32> -> vector<64x256xf32>
      %dot_general3A_157 = arith.constant dense<0.000000e+00> : vector<64x256xf32>
      %dot_general3A_158 = tpu.matmul %convert_element_type3A_154, %get3A_24, %dot_general3A_157 {dimension_numbers = #tpu.dot_dimension_numbers<[1], [0], [0], [1], [0, 0, 1, 1], [], []>, transpose_lhs_hint = false} : vector<64x1024xf32>, vector<1024x256xf32>, vector<64x256xf32> -> vector<64x256xf32>
      %add3A_159 = arith.addf %dot_general3A_156, %dot_general3A_158 : vector<64x256xf32>
      %dot_general3A_160 = arith.constant dense<0.000000e+00> : vector<64x256xf32>
      %dot_general3A_161 = tpu.matmul %convert_element_type3A_154, %get3A_27, %dot_general3A_160 {dimension_numbers = #tpu.dot_dimension_numbers<[1], [0], [0], [1], [0, 0, 1, 1], [], []>, transpose_lhs_hint = false} : vector<64x1024xf32>, vector<1024x256xf32>, vector<64x256xf32> -> vector<64x256xf32>
      %add3A_162 = arith.addf %add3A_159, %dot_general3A_161 : vector<64x256xf32>
      %sub3A_163 = arith.subf %slice3A, %add3A_150 : vector<64x256xf32>
      %sub3A_164 = arith.subf %slice3A, %add3A_162 : vector<64x256xf32>
      %mul3A_165 = arith.mulf %sub3A_163, %sub3A_163 : vector<64x256xf32>
      %reduce_sum3A_166 = arith.constant dense<0.000000e+00> : vector<64xf32>
      %reduce_sum3A_167 = vector.multi_reduction <add>, %mul3A_165, %reduce_sum3A_166 [1] : vector<64x256xf32> to vector<64xf32>
      %broadcast_in_dim3A_168 = vector.shape_cast %reduce_sum3A_167 : vector<64xf32> to vector<64x1xf32>
      %sqrt3A = math.sqrt %broadcast_in_dim3A_168 : vector<64x1xf32>
      %mul3A_169 = arith.mulf %sub3A_164, %sub3A_164 : vector<64x256xf32>
      %reduce_sum3A_170 = arith.constant dense<0.000000e+00> : vector<64xf32>
      %reduce_sum3A_171 = vector.multi_reduction <add>, %mul3A_169, %reduce_sum3A_170 [1] : vector<64x256xf32> to vector<64xf32>
      %broadcast_in_dim3A_172 = vector.shape_cast %reduce_sum3A_171 : vector<64xf32> to vector<64x1xf32>
      %sqrt3A_173 = math.sqrt %broadcast_in_dim3A_172 : vector<64x1xf32>
      %lt3A = arith.cmpf olt, %sqrt3A_173, %sqrt3A : vector<64x1xf32>
      %eq3A_174 = arith.cmpf oeq, %sqrt3A_173, %sqrt3A : vector<64x1xf32>
      %lt3A_175 = arith.cmpi slt, %broadcast_in_dim3A_138, %broadcast_in_dim3A_122 : vector<64x1xi32>
      %and3A_176 = arith.andi %eq3A_174, %lt3A_175 : vector<64x1xi1>
      %or3A = arith.ori %lt3A, %and3A_176 : vector<64x1xi1>
      %select_n3A_177 = arith.select %or3A, %broadcast_in_dim3A_138, %broadcast_in_dim3A_122 : vector<64x1xi1>, vector<64x1xi32>
      %slice3A_178 = vector.extract_strided_slice %tanh3A_99 {offsets = [0, 256], sizes = [64, 256], strides = [1, 1]} : vector<64x512xf32> to vector<64x256xf32>
      %mul3A_179 = arith.mulf %slice3A_178, %slice3A_178 : vector<64x256xf32>
      %reduce_sum3A_180 = arith.constant dense<0.000000e+00> : vector<64xf32>
      %reduce_sum3A_181 = vector.multi_reduction <add>, %mul3A_179, %reduce_sum3A_180 [1] : vector<64x256xf32> to vector<64xf32>
      %broadcast_in_dim3A_182 = vector.shape_cast %reduce_sum3A_181 : vector<64xf32> to vector<64x1xf32>
      %dot_general3A_183 = arith.constant dense<0.000000e+00> : vector<64x1024xf32>
      %dot_general3A_184 = tpu.matmul %slice3A_178, %get3A_30, %dot_general3A_183 {dimension_numbers = #tpu.dot_dimension_numbers<[1], [0], [0], [1], [0, 0, 1, 1], [], []>, precision = #tpu.contract_precision<fp32>, transpose_lhs_hint = false} : vector<64x256xf32>, vector<256x1024xf32>, vector<64x1024xf32> -> vector<64x1024xf32>
      %add3A_185 = vector.broadcast %broadcast_in_dim3A_182 : vector<64x1xf32> to vector<64x1024xf32>
      %add3A_186 = vector.broadcast %get3A_33 : vector<1x1024xf32> to vector<64x1024xf32>
      %add3A_187 = arith.addf %add3A_185, %add3A_186 : vector<64x1024xf32>
      %mul3A_188 = arith.constant 2.000000e+00 : f32
      %mul3A_189 = vector.broadcast %mul3A_188 : f32 to vector<64x1024xf32>
      %mul3A_190 = arith.mulf %mul3A_189, %dot_general3A_184 : vector<64x1024xf32>
      %sub3A_191 = arith.subf %add3A_187, %mul3A_190 : vector<64x1024xf32>
      %reduce_min3A_192 = arith.constant dense<0x7F800000> : vector<64xf32>
      %reduce_min3A_193 = vector.multi_reduction <minimumf>, %sub3A_191, %reduce_min3A_192 [1] : vector<64x1024xf32> to vector<64xf32>
      %broadcast_in_dim3A_194 = vector.shape_cast %reduce_min3A_193 : vector<64xf32> to vector<64x1xf32>
      %eq3A_195 = vector.broadcast %broadcast_in_dim3A_194 : vector<64x1xf32> to vector<64x1024xf32>
      %eq3A_196 = arith.cmpf oeq, %sub3A_191, %eq3A_195 : vector<64x1024xf32>
      %jit3A_197 = arith.constant 1024 : i32
      %broadcast_in_dim3A_198 = vector.broadcast %jit3A_197 : i32 to vector<64x1024xi32>
      %select_n3A_199 = arith.select %eq3A_196, %iota3A_0, %broadcast_in_dim3A_198 : vector<64x1024xi1>, vector<64x1024xi32>
      %reduce_min3A_200 = arith.constant dense<2147483647> : vector<64xi32>
      %reduce_min3A_201 = vector.multi_reduction <minsi>, %select_n3A_199, %reduce_min3A_200 [1] : vector<64x1024xi32> to vector<64xi32>
      %broadcast_in_dim3A_202 = vector.shape_cast %reduce_min3A_201 : vector<64xi32> to vector<64x1xi32>
      %eq3A_203 = vector.broadcast %broadcast_in_dim3A_202 : vector<64x1xi32> to vector<64x1024xi32>
      %eq3A_204 = arith.cmpi eq, %iota3A_0, %eq3A_203 : vector<64x1024xi32>
      %jit3A_205 = arith.constant 0x7F800000 : f32
      %broadcast_in_dim3A_206 = vector.broadcast %jit3A_205 : f32 to vector<64x1024xf32>
      %select_n3A_207 = arith.select %eq3A_204, %broadcast_in_dim3A_206, %sub3A_191 : vector<64x1024xi1>, vector<64x1024xf32>
      %reduce_min3A_208 = arith.constant dense<0x7F800000> : vector<64xf32>
      %reduce_min3A_209 = vector.multi_reduction <minimumf>, %select_n3A_207, %reduce_min3A_208 [1] : vector<64x1024xf32> to vector<64xf32>
      %broadcast_in_dim3A_210 = vector.shape_cast %reduce_min3A_209 : vector<64xf32> to vector<64x1xf32>
      %eq3A_211 = vector.broadcast %broadcast_in_dim3A_210 : vector<64x1xf32> to vector<64x1024xf32>
      %eq3A_212 = arith.cmpf oeq, %select_n3A_207, %eq3A_211 : vector<64x1024xf32>
      %jit3A_213 = arith.constant 1024 : i32
      %broadcast_in_dim3A_214 = vector.broadcast %jit3A_213 : i32 to vector<64x1024xi32>
      %select_n3A_215 = arith.select %eq3A_212, %iota3A_0, %broadcast_in_dim3A_214 : vector<64x1024xi1>, vector<64x1024xi32>
      %reduce_min3A_216 = arith.constant dense<2147483647> : vector<64xi32>
      %reduce_min3A_217 = vector.multi_reduction <minsi>, %select_n3A_215, %reduce_min3A_216 [1] : vector<64x1024xi32> to vector<64xi32>
      %broadcast_in_dim3A_218 = vector.shape_cast %reduce_min3A_217 : vector<64xi32> to vector<64x1xi32>
      %eq3A_219 = vector.broadcast %broadcast_in_dim3A_202 : vector<64x1xi32> to vector<64x1024xi32>
      %eq3A_220 = arith.cmpi eq, %iota3A_0, %eq3A_219 : vector<64x1024xi32>
      %convert_element_type3A_221 = arith.extui %eq3A_220 : vector<64x1024xi1> to vector<64x1024xi32>
      %convert_element_type3A_222 = arith.sitofp %convert_element_type3A_221 : vector<64x1024xi32> to vector<64x1024xf32>
      %dot_general3A_223 = arith.constant dense<0.000000e+00> : vector<64x256xf32>
      %dot_general3A_224 = tpu.matmul %convert_element_type3A_222, %get3A_21, %dot_general3A_223 {dimension_numbers = #tpu.dot_dimension_numbers<[1], [0], [0], [1], [0, 0, 1, 1], [], []>, transpose_lhs_hint = false} : vector<64x1024xf32>, vector<1024x256xf32>, vector<64x256xf32> -> vector<64x256xf32>
      %dot_general3A_225 = arith.constant dense<0.000000e+00> : vector<64x256xf32>
      %dot_general3A_226 = tpu.matmul %convert_element_type3A_222, %get3A_24, %dot_general3A_225 {dimension_numbers = #tpu.dot_dimension_numbers<[1], [0], [0], [1], [0, 0, 1, 1], [], []>, transpose_lhs_hint = false} : vector<64x1024xf32>, vector<1024x256xf32>, vector<64x256xf32> -> vector<64x256xf32>
      %add3A_227 = arith.addf %dot_general3A_224, %dot_general3A_226 : vector<64x256xf32>
      %dot_general3A_228 = arith.constant dense<0.000000e+00> : vector<64x256xf32>
      %dot_general3A_229 = tpu.matmul %convert_element_type3A_222, %get3A_27, %dot_general3A_228 {dimension_numbers = #tpu.dot_dimension_numbers<[1], [0], [0], [1], [0, 0, 1, 1], [], []>, transpose_lhs_hint = false} : vector<64x1024xf32>, vector<1024x256xf32>, vector<64x256xf32> -> vector<64x256xf32>
      %add3A_230 = arith.addf %add3A_227, %dot_general3A_229 : vector<64x256xf32>
      %eq3A_231 = vector.broadcast %broadcast_in_dim3A_218 : vector<64x1xi32> to vector<64x1024xi32>
      %eq3A_232 = arith.cmpi eq, %iota3A_0, %eq3A_231 : vector<64x1024xi32>
      %convert_element_type3A_233 = arith.extui %eq3A_232 : vector<64x1024xi1> to vector<64x1024xi32>
      %convert_element_type3A_234 = arith.sitofp %convert_element_type3A_233 : vector<64x1024xi32> to vector<64x1024xf32>
      %dot_general3A_235 = arith.constant dense<0.000000e+00> : vector<64x256xf32>
      %dot_general3A_236 = tpu.matmul %convert_element_type3A_234, %get3A_21, %dot_general3A_235 {dimension_numbers = #tpu.dot_dimension_numbers<[1], [0], [0], [1], [0, 0, 1, 1], [], []>, transpose_lhs_hint = false} : vector<64x1024xf32>, vector<1024x256xf32>, vector<64x256xf32> -> vector<64x256xf32>
      %dot_general3A_237 = arith.constant dense<0.000000e+00> : vector<64x256xf32>
      %dot_general3A_238 = tpu.matmul %convert_element_type3A_234, %get3A_24, %dot_general3A_237 {dimension_numbers = #tpu.dot_dimension_numbers<[1], [0], [0], [1], [0, 0, 1, 1], [], []>, transpose_lhs_hint = false} : vector<64x1024xf32>, vector<1024x256xf32>, vector<64x256xf32> -> vector<64x256xf32>
      %add3A_239 = arith.addf %dot_general3A_236, %dot_general3A_238 : vector<64x256xf32>
      %dot_general3A_240 = arith.constant dense<0.000000e+00> : vector<64x256xf32>
      %dot_general3A_241 = tpu.matmul %convert_element_type3A_234, %get3A_27, %dot_general3A_240 {dimension_numbers = #tpu.dot_dimension_numbers<[1], [0], [0], [1], [0, 0, 1, 1], [], []>, transpose_lhs_hint = false} : vector<64x1024xf32>, vector<1024x256xf32>, vector<64x256xf32> -> vector<64x256xf32>
      %add3A_242 = arith.addf %add3A_239, %dot_general3A_241 : vector<64x256xf32>
      %sub3A_243 = arith.subf %slice3A_178, %add3A_230 : vector<64x256xf32>
      %sub3A_244 = arith.subf %slice3A_178, %add3A_242 : vector<64x256xf32>
      %mul3A_245 = arith.mulf %sub3A_243, %sub3A_243 : vector<64x256xf32>
      %reduce_sum3A_246 = arith.constant dense<0.000000e+00> : vector<64xf32>
      %reduce_sum3A_247 = vector.multi_reduction <add>, %mul3A_245, %reduce_sum3A_246 [1] : vector<64x256xf32> to vector<64xf32>
      %broadcast_in_dim3A_248 = vector.shape_cast %reduce_sum3A_247 : vector<64xf32> to vector<64x1xf32>
      %sqrt3A_249 = math.sqrt %broadcast_in_dim3A_248 : vector<64x1xf32>
      %mul3A_250 = arith.mulf %sub3A_244, %sub3A_244 : vector<64x256xf32>
      %reduce_sum3A_251 = arith.constant dense<0.000000e+00> : vector<64xf32>
      %reduce_sum3A_252 = vector.multi_reduction <add>, %mul3A_250, %reduce_sum3A_251 [1] : vector<64x256xf32> to vector<64xf32>
      %broadcast_in_dim3A_253 = vector.shape_cast %reduce_sum3A_252 : vector<64xf32> to vector<64x1xf32>
      %sqrt3A_254 = math.sqrt %broadcast_in_dim3A_253 : vector<64x1xf32>
      %lt3A_255 = arith.cmpf olt, %sqrt3A_254, %sqrt3A_249 : vector<64x1xf32>
      %eq3A_256 = arith.cmpf oeq, %sqrt3A_254, %sqrt3A_249 : vector<64x1xf32>
      %lt3A_257 = arith.cmpi slt, %broadcast_in_dim3A_218, %broadcast_in_dim3A_202 : vector<64x1xi32>
      %and3A_258 = arith.andi %eq3A_256, %lt3A_257 : vector<64x1xi1>
      %or3A_259 = arith.ori %lt3A_255, %and3A_258 : vector<64x1xi1>
      %select_n3A_260 = arith.select %or3A_259, %broadcast_in_dim3A_218, %broadcast_in_dim3A_202 : vector<64x1xi1>, vector<64x1xi32>
      %mul3A_261 = arith.muli %select_n3A_177, %mul3A : vector<64x1xi32>
      %mul3A_262 = arith.muli %select_n3A_260, %mul3A : vector<64x1xi32>
      %gt3A_263 = arith.constant 0 : i32
      %gt3A_264 = vector.broadcast %gt3A_263 : i32 to vector<64x1xi32>
      %gt3A_265 = arith.cmpi sgt, %mul3A_261, %gt3A_264 : vector<64x1xi32>
      %eq3A_266 = vector.broadcast %max3A_62 : vector<64x1xi32> to vector<64x66xi32>
      %eq3A_267 = arith.cmpi eq, %iota3A, %eq3A_266 : vector<64x66xi32>
      %and3A_268 = vector.broadcast %gt3A_265 : vector<64x1xi1> to vector<64x66xi1>
      %and3A_269 = arith.andi %eq3A_267, %and3A_268 : vector<64x66xi1>
      %broadcast_in_dim3A_270 = vector.shape_cast %select_n3A_177 : vector<64x1xi32> to vector<64x1xi32>
      %broadcast_in_dim3A_271 = vector.broadcast %broadcast_in_dim3A_270 : vector<64x1xi32> to vector<64x66xi32>
      %select_n3A_272 = arith.select %and3A_269, %broadcast_in_dim3A_271, %scan3A_45 : vector<64x66xi1>, vector<64x66xi32>
      %convert_element_type3A_273 = arith.extui %gt3A_265 : vector<64x1xi1> to vector<64x1xi32>
      %add3A_274 = arith.addi %max3A_62, %convert_element_type3A_273 : vector<64x1xi32>
      %gt3A_275 = arith.constant 0 : i32
      %gt3A_276 = vector.broadcast %gt3A_275 : i32 to vector<64x1xi32>
      %gt3A_277 = arith.cmpi sgt, %mul3A_262, %gt3A_276 : vector<64x1xi32>
      %eq3A_278 = vector.broadcast %add3A_274 : vector<64x1xi32> to vector<64x66xi32>
      %eq3A_279 = arith.cmpi eq, %iota3A, %eq3A_278 : vector<64x66xi32>
      %and3A_280 = vector.broadcast %gt3A_277 : vector<64x1xi1> to vector<64x66xi1>
      %and3A_281 = arith.andi %eq3A_279, %and3A_280 : vector<64x66xi1>
      %broadcast_in_dim3A_282 = vector.shape_cast %select_n3A_260 : vector<64x1xi32> to vector<64x1xi32>
      %broadcast_in_dim3A_283 = vector.broadcast %broadcast_in_dim3A_282 : vector<64x1xi32> to vector<64x66xi32>
      %select_n3A_284 = arith.select %and3A_281, %broadcast_in_dim3A_283, %select_n3A_272 : vector<64x66xi1>, vector<64x66xi32>
      %convert_element_type3A_285 = arith.extui %gt3A_277 : vector<64x1xi1> to vector<64x1xi32>
      %add3A_286 = arith.addi %add3A_274, %convert_element_type3A_285 : vector<64x1xi32>
      %broadcast_in_dim3A_287 = vector.shape_cast %tanh3A : vector<64x512xf32> to vector<1x64x512xf32>
      %swap3A = arith.index_cast %scan3A_44 : i32 to index
      %swap3A_288 = arith.constant 0 : index
      %swap3A_289 = arith.constant 0 : index
      %swap3A_290 = vector.load %arg12[%swap3A, %swap3A_288, %swap3A_289] : memref<32x64x512xf32, #tpu.memory_space<vmem>>, vector<1x64x512xf32>
      tpu.vector_store %arg12[%swap3A, %swap3A_288, %swap3A_289], %broadcast_in_dim3A_287 {strides = array<i32>} : memref<32x64x512xf32, #tpu.memory_space<vmem>>, vector<1x64x512xf32>,
      %broadcast_in_dim3A_291 = vector.shape_cast %tanh3A_99 : vector<64x512xf32> to vector<1x64x512xf32>
      %swap3A_292 = arith.index_cast %scan3A_44 : i32 to index
      %swap3A_293 = arith.constant 0 : index
      %swap3A_294 = arith.constant 0 : index
      %swap3A_295 = vector.load %arg14[%swap3A_292, %swap3A_293, %swap3A_294] : memref<32x64x512xf32, #tpu.memory_space<vmem>>, vector<1x64x512xf32>
      tpu.vector_store %arg14[%swap3A_292, %swap3A_293, %swap3A_294], %broadcast_in_dim3A_291 {strides = array<i32>} : memref<32x64x512xf32, #tpu.memory_space<vmem>>, vector<1x64x512xf32>,
      %broadcast_in_dim3A_296 = vector.shape_cast %mul3A_261 : vector<64x1xi32> to vector<64x1x1xi32>
      %broadcast_in_dim3A_297 = vector.shape_cast %mul3A_262 : vector<64x1xi32> to vector<64x1x1xi32>
      %concatenate3A_298 = tpu.concatenate %broadcast_in_dim3A_296, %broadcast_in_dim3A_297 in 2 : vector<64x1x1xi32>, vector<64x1x1xi32> -> vector<64x1x2xi32>
      %swap3A_299 = arith.constant 0 : index
      %swap3A_300 = arith.index_cast %scan3A_44 : i32 to index
      %swap3A_301 = arith.constant 0 : index
      %swap3A_302 = vector.load %arg13[%swap3A_299, %swap3A_300, %swap3A_301] : memref<64x32x2xi32, #tpu.memory_space<vmem>>, vector<64x1x2xi32>
      tpu.vector_store %arg13[%swap3A_299, %swap3A_300, %swap3A_301], %concatenate3A_298 {strides = array<i32>} : memref<64x32x2xi32, #tpu.memory_space<vmem>>, vector<64x1x2xi32>,
      scf.yield %select_n3A_284, %add3A_286, %add3A_89, %add3A_94 : vector<64x66xi32>, vector<64x1xi32>, vector<64x512xf32>, vector<64x512xf32>
    }
    %scan3A_43 = arith.constant 32 : i32
    return
  }
}

module attributes {stable_mosaic.version = 14 : i64} {
  func.func @_logits_kernel(%arg0: i32, %arg1: i32, %arg2: memref<1x64x512xf32, #tpu.memory_space<vmem>>, %arg3: memref<512x512xf32, #tpu.memory_space<vmem>>, %arg4: memref<1x512xf32, #tpu.memory_space<vmem>>, %arg5: memref<64x1x1x512xf32, #tpu.memory_space<vmem>>) attributes {dimension_semantics = [#tpu.dimension_semantics<arbitrary>, #tpu.dimension_semantics<arbitrary>], iteration_bounds = array<i64: 32, 16>, scalar_prefetch = 0 : i64, scratch_operands = 0 : i64, tpu.core_type = #tpu.core_type<tc>, window_params = [{transform_indices = @transform_0, window_bounds = array<i64: 1, 64, 512>}, {transform_indices = @transform_1, window_bounds = array<i64: 512, 512>}, {transform_indices = @transform_2, window_bounds = array<i64: 1, 512>}, {transform_indices = @transform_3, window_bounds = array<i64: 64, 1, 1, 512>}]} {
    %get3A = arith.constant 0 : index
    %get3A_0 = arith.constant 0 : index
    %get3A_1 = arith.constant 0 : index
    %get3A_2 = vector.load %arg2[%get3A, %get3A_0, %get3A_1] : memref<1x64x512xf32, #tpu.memory_space<vmem>>, vector<1x64x512xf32>
    %get3A_3 = vector.shape_cast %get3A_2 : vector<1x64x512xf32> to vector<64x512xf32>
    %get3A_4 = arith.constant 0 : index
    %get3A_5 = arith.constant 0 : index
    %get3A_6 = vector.load %arg3[%get3A_4, %get3A_5] : memref<512x512xf32, #tpu.memory_space<vmem>>, vector<512x512xf32>
    %dot_general3A = arith.constant dense<0.000000e+00> : vector<64x512xf32>
    %dot_general3A_7 = tpu.matmul %get3A_3, %get3A_6, %dot_general3A {dimension_numbers = #tpu.dot_dimension_numbers<[1], [0], [0], [1], [0, 0, 1, 1], [], []>, transpose_lhs_hint = false} : vector<64x512xf32>, vector<512x512xf32>, vector<64x512xf32> -> vector<64x512xf32>
    %get3A_8 = arith.constant 0 : index
    %get3A_9 = arith.constant 0 : index
    %get3A_10 = vector.load %arg4[%get3A_8, %get3A_9] : memref<1x512xf32, #tpu.memory_space<vmem>>, vector<1x512xf32>
    %add3A = vector.broadcast %get3A_10 : vector<1x512xf32> to vector<64x512xf32>
    %add3A_11 = arith.addf %dot_general3A_7, %add3A : vector<64x512xf32>
    %reshape3A = vector.shape_cast %add3A_11 : vector<64x512xf32> to vector<64x1x1x512xf32>
    %swap3A = arith.constant 0 : index
    %swap3A_12 = arith.constant 0 : index
    %swap3A_13 = arith.constant 0 : index
    %swap3A_14 = arith.constant 0 : index
    %swap3A_15 = vector.load %arg5[%swap3A, %swap3A_12, %swap3A_13, %swap3A_14] : memref<64x1x1x512xf32, #tpu.memory_space<vmem>>, vector<64x1x1x512xf32>
    tpu.vector_store %arg5[%swap3A, %swap3A_12, %swap3A_13, %swap3A_14], %reshape3A {strides = array<i32>} : memref<64x1x1x512xf32, #tpu.memory_space<vmem>>, vector<64x1x1x512xf32>,
    return
  }
  func.func @transform_0(%arg0: i32, %arg1: i32) -> (i32, i32, i32) {
    %c0_i32 = arith.constant 0 : i32
    %c0_i32_0 = arith.constant 0 : i32
    %c0_i32_1 = arith.constant 0 : i32
    return %arg0, %c0_i32, %c0_i32_0 : i32, i32, i32
  }
  func.func @transform_1(%arg0: i32, %arg1: i32) -> (i32, i32) {
    %c0_i32 = arith.constant 0 : i32
    %c0_i32_0 = arith.constant 0 : i32
    return %c0_i32, %arg1 : i32, i32
  }
  func.func @transform_2(%arg0: i32, %arg1: i32) -> (i32, i32) {
    %c0_i32 = arith.constant 0 : i32
    %c0_i32_0 = arith.constant 0 : i32
    return %c0_i32, %arg1 : i32, i32
  }
  func.func @transform_3(%arg0: i32, %arg1: i32) -> (i32, i32, i32, i32) {
    %c0_i32 = arith.constant 0 : i32
    %c0_i32_0 = arith.constant 0 : i32
    %c0_i32_1 = arith.constant 0 : i32
    return %c0_i32, %arg0, %c0_i32_0, %arg1 : i32, i32, i32, i32
  }
}

</mosaic_0001>

<sc_bundles>
// kernel: gather_offload_async_start
scs
__scs_entry_jumppad:
0x0: {  	(pc) =	sbr.rel $0x88, $3  }
0x1: {  	(tag) =	ssettag $0x0;
	lr =	simm.s32 $0x1  }
0x2: {  	[smem:$0x3F97] =	sst lr;
	_ =	strace $0xD0000000  }
0x3: {  	_ = 	snop  }
0x4: {  	_ = 	snop  }
0x5: {  	_ = 	snop  }
0x6: {  	_ = 	snop  }
0x7: {  	_ = 	snop  }
__scs_overlays_trampoline_lowered:
0x8: {  	[smem:$0x3FA6] =	sst s0  }
0x9: {  	[smem:$0x3FA7] =	sst s1  }
0xa: {  	[smem:$0x3FA8] =	sst s2  }
0xb: {  	[smem:$0x3FA9] =	sst s3  }
0xc: {  	[smem:$0x3FAA] =	sst s4  }
0xd: {  	[smem:$0x3FAB] =	sst s5  }
0xe: {  	[smem:$0x3FAC] =	sst s6  }
0xf: {  	[smem:$0x3FAD] =	sst s7  }
0x10: {  	[smem:$0x3FAE] =	sst s8  }
0x11: {  	[smem:$0x3FAF] =	sst s9;
	s0 =	simm.s32 @!p0 $0x0  }
0x12: {  	s1 =	sld [smem:$0x3F95];
	s0 =	simm.s32 @p0 $0x1  }
0x13: {  	[smem:$0x3FB0] =	sst s0;
	s0 =	simm.s32 @!p1 $0x0  }
0x14: {  	s2 =	sld [smem:$0x3F94];
	s0 =	simm.s32 @p1 $0x1  }
0x15: {  	[smem:$0x3FB1] =	sst s0;
	s0 =	simm.s32 @!p2 $0x0  }
0x16: {  	s3 =	sld [smem:$0x3FDB];
	s0 =	simm.s32 @p2 $0x1  }
0x17: {  	s4 =	simm.s32 $0x1BF5;
	[smem:$0x3FB3] =	sst s0  }
0x18: {  	s0 =	sld [smem:$0x3F96];
	_ =	swait.ge [sflag:s4], $0x0  }
0x19: {  	s7 =	sld [smem:$0x3F97]  }
0x1a: {  	s8 =	sadd.s32 $0xFFFFE003, lr  }
0x1b: {  	s9 =	sadd.s32 $0xFFFFFEF7, lr;
	s5 =	simm.s32 $0xFFFFFFFF;
	p2 =	slt.u32 s8, $0xFFFFF086  }
0x1c: {  	p1 =	slt.u32 s9, $0xF7A;
	s5 =	simm.s32 @!p2 $0x0  }
0x1d: {  	s5 =	simm.s32 @p1 $0x1;
	p0 =	seq.s32 s7, s2  }
0x1e: {  	s7 =	smul.u32 @!p0 $0xF7A, s2;
	p2 =	seq.s32 @!p0 s5, $0x0  }
0x1f: {  	s9 =	smul.u32 $0xF7A, s1;
	s8 =	simm.s32 @!p0 $0x1BF5;
	p2 =	por !p2, p0  }
0x20: {  	[sflag:s8] =	ssyncset.s32 @!p0 $0xFFFFF086;
	s6 =	sadd.s32 @!p0 s3, s7;
	s7 =	simm.s32 @!p0 $0x108  }
0x21: {  	s3 =	sadd.s32 s3, s9;
	s6 =	sadd.s32 @!p0 $0x88, s6;
	s7 =	simm.s32 @p2 $0x1082  }
0x22: {  	[simem:s7], [sflag:s8] =	dma.local @!p0 [hbm:s6], $0xF7A  }
0x23: {  	s9 =	sor.u32 $0xD0000000, s2;
	s6 =	simm.s32 $0x108;
	_ =	swait.ge @!p0 [sflag:s8], $0x0  }
0x24: {  	s3 =	sadd.s32 $0x88, s3;
	s6 =	simm.s32 @!p1 $0x1082;
	[sflag:s4] =	ssyncset.s32 $0xFFFFF086  }
0x25: {  	[simem:s6], [sflag:s4] =	dma.local [hbm:s3], $0xF7A  }
0x26: {  	[smem:$0x3F97] =	sst s1;
	(tag) =	ssettag s2;
	_ =	strace s9  }
0x27: {  	s1 =	sld [smem:$0x3FA7]  }
0x28: {  	s2 =	sld [smem:$0x3FA8]  }
0x29: {  	s4 =	sld [smem:$0x3FAA]  }
0x2a: {  	p0 =	seq.s32 s5, $0x0;
	s5 =	sld [smem:$0x3FAB]  }
0x2b: {  	s6 =	sld [smem:$0x3FAC]  }
0x2c: {  	s7 =	sld [smem:$0x3FAD]  }
0x2d: {  	s3 =	simm.s32 $0x108;
	s8 =	sld [smem:$0x3FAE]  }
0x2e: {  	s3 =	simm.s32 @!p0 $0x1082;
	s9 =	sld [smem:$0x3FAF]  }
0x2f: {  	lr =	sadd.s32 s0, s3;
	s0 =	sld [smem:$0x3FA6]  }
0x30: {  	s3 =	sld [smem:$0x3FA9]  }
0x31: {  	[smem:$0x3FB2] =	sst s10  }
0x32: {  	s10 =	sld [smem:$0x3FB0];
	_ =	sdelay $0x3  }
0x33: {  	p0 =	seq.s32 s10, $0x1;
	s10 =	sld [smem:$0x3FB2];
	_ =	sdelay $0x3  }
0x34: {  	[smem:$0x3FB2] =	sst s10  }
0x35: {  	s10 =	sld [smem:$0x3FB1];
	_ =	sdelay $0x3  }
0x36: {  	p1 =	seq.s32 s10, $0x1;
	s10 =	sld [smem:$0x3FB2];
	_ =	sdelay $0x3  }
0x37: {  	[smem:$0x3FB2] =	sst s10  }
0x38: {  	s10 =	sld [smem:$0x3FB3]  }
0x39: {  	_ = 	snop;
	(pc) =	sbr.ind lr, $3  }
0x3a: {  	_ = 	snop  }
0x3b: {  	_ = 	snop  }
0x3c: {  	p2 =	seq.s32 s10, $0x1;
	s10 =	sld [smem:$0x3FB2]  }
0x3d: {  	_ =	shalt  }
0x3e: {  	_ =	shalt  }
0x3f: {  	_ =	shalt  }
0x40: {  	_ =	shalt  }
0x41: {  	_ =	shalt  }
0x42: {  	_ =	shalt  }
0x43: {  	_ =	shalt  }
0x44: {  	_ =	shalt  }
0x45: {  	_ =	shalt  }
0x46: {  	_ =	shalt  }
0x47: {  	_ =	shalt  }
0x48: {  	_ =	shalt  }
0x49: {  	_ =	shalt  }
0x4a: {  	_ =	shalt  }
0x4b: {  	_ =	shalt  }
0x4c: {  	_ =	shalt  }
0x4d: {  	_ =	shalt  }
0x4e: {  	_ =	shalt  }
0x4f: {  	_ =	shalt  }
0x50: {  	_ =	shalt  }
0x51: {  	_ =	shalt  }
0x52: {  	_ =	shalt  }
0x53: {  	_ =	shalt  }
0x54: {  	_ =	shalt  }
0x55: {  	_ =	shalt  }
0x56: {  	_ =	shalt  }
0x57: {  	_ =	shalt  }
0x58: {  	_ =	shalt  }
0x59: {  	_ =	shalt  }
0x5a: {  	_ =	shalt  }
0x5b: {  	_ =	shalt  }
0x5c: {  	_ =	shalt  }
0x5d: {  	_ =	shalt  }
0x5e: {  	_ =	shalt  }
0x5f: {  	_ =	shalt  }
0x60: {  	_ =	shalt  }
0x61: {  	_ =	shalt  }
0x62: {  	_ =	shalt  }
0x63: {  	_ =	shalt  }
0x64: {  	_ =	shalt  }
0x65: {  	_ =	shalt  }
0x66: {  	_ =	shalt  }
0x67: {  	_ =	shalt  }
0x68: {  	_ =	shalt  }
0x69: {  	_ =	shalt  }
0x6a: {  	_ =	shalt  }
0x6b: {  	_ =	shalt  }
0x6c: {  	_ =	shalt  }
0x6d: {  	_ =	shalt  }
0x6e: {  	_ =	shalt  }
0x6f: {  	_ =	shalt  }
0x70: {  	_ =	shalt  }
0x71: {  	_ =	shalt  }
0x72: {  	_ =	shalt  }
0x73: {  	_ =	shalt  }
0x74: {  	_ =	shalt  }
0x75: {  	_ =	shalt  }
0x76: {  	_ =	shalt  }
0x77: {  	_ =	shalt  }
0x78: {  	_ =	shalt  }
0x79: {  	_ =	shalt  }
0x7a: {  	_ =	shalt  }
0x7b: {  	_ =	shalt  }
0x7c: {  	_ =	shalt  }
0x7d: {  	_ =	shalt  }
0x7e: {  	_ =	shalt  }
0x7f: {  	_ =	shalt  }
0x80: {  	_ =	shalt  }
0x81: {  	_ =	shalt  }
0x82: {  	_ =	shalt  }
0x83: {  	_ =	shalt  }
0x84: {  	_ =	shalt  }
0x85: {  	_ =	shalt  }
0x86: {  	_ =	shalt  }
0x87: {  	_ =	shalt  }
.Lfunc_end0:
.L_simem_size_0:
called_computation_lowered:
.L_overlay_start_0:
0x88: {  	s2 =	sld [smem:$0x3FD9]  }
0x89: {  	s3 =	sld [smem:$0x3FFE];
	_ =	sdelay $0x1  }
0x8a: {  	s1 =	srdreg.scid  }
0x8b: {  	s0 =	sand.u32 $0x1, s1  }
0x8c: {  	s15 =	sshll.u32 s0, $0xA;
	s2 =	sadd.s32 s3, s2  }
0x8d: {  	s2 =	sadd.s32 s2, s15  }
0x8e: {  	[smem:$0x3FBE] =	sst s2  }
0x8f: {  	_ = 	snop  }
0x90: {  	s2 =	sld [smem:$0x3FD0];
	_ =	sdelay $0x2  }
0x91: {  	s4 =	simm.s32 $0xA;
	s5 =	simm.s32 $0x10;
	s16 =	sld [smem:$0x3FC9]  }
0x92: {  	[smem:s5], [sflag:s4] =	dma.local [hbm:s2], $0x1  }
0x93: {  	_ =	swait.eq [sflag:s4], $0x1  }
0x94: {  	[sflag:s4] =	ssyncset.done $0x0  }
0x95: {  	s17 =	sld [smem:$0x11];
	[sflag:s4] =	ssyncadd.s32 $0xFFFFFFFF  }
0x96: {  	s18 =	sld [smem:$0x12];
	(tm) =	ssettm $0x1  }
0x97: {  	s19 =	sld [smem:$0x3FFB];
	_ =	sdelay $0x3  }
0x98: {  	_ =	strace s19  }
0x99: {  	s5 =	sld [smem:$0x3FFC];
	_ =	sdelay $0x3  }
0x9a: {  	_ =	strace s5  }
0x9b: {  	s5 =	sld [smem:$0x3FFD];
	_ =	sdelay $0x3  }
0x9c: {  	_ =	strace s5  }
0x9d: {  	_ =	strace $0x8FFFFFFF  }
0x9e: {  	s20 =	sld [smem:$0x3FDB];
	_ =	sdelay $0x1  }
0x9f: {  	s6 =	simm.s32 $_scs_section_size  }
0xa0: {  	s7 =	simm.s32 $_size__tile_overlayer_lowered;
	s8 =	simm.s32 $_tile_overlayer_lowered  }
0xa1: {  	s23 =	simm.s32 $0x1BFF;
	s22 =	sshll.u32 s8, $0x1;
	s5 =	sadd.s32 s6, s20  }
0xa2: {  	s9 =	simm.s32 $0x0;
	s21 =	sshll.u32 s7, $0x1;
	s7 =	sadd.s32 s22, s5  }
0xa3: {  	[timem:s9], [sflag:s23] =	dma.local [hbm:s7], s21  }
0xa4: {  	_ =	swait.ge [sflag:s23], s21  }
0xa5: {  	s6 =	ssub.s32 $0x0, s21;
	[sflag:s23] =	ssyncset.done $0x0  }
0xa6: {  	[sflag:s23] =	ssyncadd.s32 s6;
	_ =	sdelay $0x1  }
0xa7: {  	s24 =	simm.s32 $0x1B8B  }
0xa8: {  	_ =	swait.ge [sflag:s24], $0x1  }
0xa9: {  	[sflag:s24] =	ssyncset.done $0x0  }
0xaa: {  	s25 =	simm.s32 $0x1B8E;
	[sflag:s24] =	ssyncadd.s32 $0xFFFFFFFF  }
0xab: {  	s26 =	simm.s32 $execute0_lowered;
	[smem:$0x3FD2] =	sst s25  }
0xac: {  	s6 =	sshll.u32 s26, $0x1;
	_ =	strace $0x80000046;
	[dreg:$0x1] =	wrdreg $0xFFFFFFFF  }
0xad: {  	s28 =	simm.s32 $_size_execute0_lowered;
	s5 =	sadd.s32 s5, s6;
	[dreg:$0x0] =	wrdreg $0x0  }
0xae: {  	s6 =	sshll.u32 s28, $0x1;
	[dreg:$0x2] =	wrdreg s5  }
0xaf: {  	[dreg:$0x3] =	wrdreg s6  }
0xb0: {  	[dreg:$0x4] =	wrdreg $0xC0  }
0xb1: {  	_ =	task [dreg:s9], $0x5FFFF  }
0xb2: {  	[dreg:$0x1] =	wrdreg $0xFFFFFFFF  }
0xb3: {  	[dreg:$0x0] =	wrdreg $0x60  }
0xb4: {  	[dreg:$0x2] =	wrdreg s16  }
0xb5: {  	[dreg:$0x3] =	wrdreg s17  }
0xb6: {  	[dreg:$0x4] =	wrdreg s18  }
0xb7: {  	[dreg:$0x5] =	wrdreg $0x9  }
0xb8: {  	_ =	task.clear_ibuf [dreg:s9], $0x6FFFF;
	_ =	strace $0x90000046  }
0xb9: {  	s29 =	simm.s32 $0x9;
	_ =	strace $0x80000048  }
0xba: {  	_ =	swait.ge [sflag:s29], $0x1  }
0xbb: {  	[sflag:s29] =	ssyncadd.s32 $0xFFFFFFFF  }
0xbc: {  	_ =	strace $0x90000048  }
0xbd: {  	_ =	sfence  }
0xbe: {  	s30 =	sld [smem:$0x0];
	_ =	sdelay $0x2  }
0xbf: {  	s31 =	sshll.u32 s1, $0xD;
	s1 =	sshrl.u32 s1, $0x2  }
0xc0: {  	s3 =	sand.u32 $0x4000, s31;
	s1 =	sadd.s32 s1, s30  }
0xc1: {  	s0 =	sor.u32 s3, s0;
	s1 =	sshll.u32 s1, $0x11  }
0xc2: {  	s0 =	sor.u32 s1, s0  }
0xc3: {  	s0 =	sadd.s32 $0x8F2B, s0  }
0xc4: {  	[sflag:s0] =	ssyncadd.remote.s32 $0x1  }
0xc5: {  	_ =	sfence.sel $0xFFFF  }
0xc6: {  	[dreg:$0x0] =	wrdreg $0xFFFFFFFF;
	(pc) =	sbr.abs _section_cstart, $3  }
0xc7: {  	[dreg:$0x1] =	wrdreg $0xFFFFFFFF  }
0xc8: {  	_ =	task.clear_ibuf [dreg:s9], $0x2FFFF;
	_ =	strace $0x9FFFFFFF  }
0xc9: {  	(tm) =	ssettm $0x7FFFFFFF  }
tec
execute0_lowered:
.L_overlay_start_1:
0x0: {  	(tag) =	ssettag $0x1  }
0x1: {  	s2 =	rddreg [dreg:$0x0]  }
0x2: {  	s3 =	rddreg [dreg:$0x1]  }
0x3: {  	s4 =	rddreg [dreg:$0x2]  }
0x4: {  	s0 =	rddreg [dreg:$0x3];
	s1 =	srdreg.scid  }
0x5: {  	_ =	strace $0x80000047;
	s5 =	simm.s32 $0x1;
	s6 =	sshll.u32 s1, $0x4  }
.Ltmp0:
0x6: {  	s1 =	stileid.u32;
	s6 =	sand.u32 $0x10, s6;
	(pc) =	sbr.rel .LBB2_1-.Ltmp0, $4  }
0x7: {  	s9 =	simm.s32 $0x3;
	s12 =	simm.s32 $0x0;
	s7 =	sor.u32 s1, s6  }
0x8: {  	[sflag:s5] =	ssyncpa.u1 $0x0;
	s6 =	simm.s32 $0x2;
	s7 =	sshll.u32 s7, $0x6  }
0x9: {  	s10 =	simm.s32 $0x0;
	[sflag:s6] =	ssyncpa.u1 $0x0;
	s8 =	sadd.s32 $0x40, s7  }
0xa: {  	vm0 =	vmmov $0xff;
	vm1 =	vcmask $0x3F20;
	[sflag:s9] =	ssyncpa.u1 $0x0;
	s9 =	simm.s32 $0x40;
	s11 =	smov.u32 s7  }
.LBB2_10:
0xb: {  	[hbm:s16] =	stream.linear.scatter [tilespmem:s13], [sflag:$0x3], $0x800, $0x38;
	[tilespmem:$0x8080] =	vst v63  }
.LBB2_11:
0xc: {  	p0 =	seq.s32 s10, $0x2  }
.Ltmp1:
0xd: {  	_ = 	snop;
	(pc) =	sbr.rel @p0 .LBB2_13-.Ltmp1, $1  }
0xe: {  	_ =	sdelay $0x3  }
.LBB2_12:
0xf: {  	s12 =	sadd.s32 $0x40, s11  }
0x10: {  	s13 =	smov.u32 s7;
	p0 =	slt.s32 s12, s8  }
0x11: {  	s13 =	smov.u32 @p0 s12  }
0x12: {  	s10 =	sadd.s32 $0x1, s10;
	s12 =	smov.u32 s11;
	s11 =	smov.u32 s13  }
.LBB2_1:
0x13: {  	p0 =	sne.s32 s10, $0x0  }
.Ltmp2:
0x14: {  	_ = 	snop;
	(pc) =	sbr.rel @!p0 .LBB2_2-.Ltmp2, $1  }
0x15: {  	_ =	sdelay $0x3  }
0x16: {  	s13 =	sand.u32 $0x1, s10  }
0x17: {  	p0 =	seq.s32 s13, $0x0  }
.Ltmp3:
0x18: {  	_ = 	snop;
	(pc) =	sbr.rel @p0 .LBB2_11-.Ltmp3, $1  }
0x19: {  	_ =	sdelay $0x3  }
0x1a: {  	_ =	swait.ge [sflag:s6], $0x40  }
0x1b: {  	[sflag:s6] =	ssyncset.done $0x0  }
0x1c: {  	s13 =	simm.s32 $0x0;
	[sflag:s6] =	ssyncadd.s32 $0xFFFFFFC0  }
.LBB2_5:
0x1d: {  	s14 =	sshll.u32 s13, $0x4  }
0x1e: {  	s14 =	sand.u32 $0x3FFFFFF0, s14  }
0x1f: {  	v0 =	vld.msk [tilespmem:s14+$0x40 ss:$0x1], $0xffff;
	_ =	sdelay $0x4  }
0x20: {  	vm2 =	vgt.s32 v0, $0x0  }
0x21: {  	v0 =	vnsel vm2, $0x0, v0  }
0x22: {  	v0 =	vmin.u32 v0, $0x1FFF  }
0x23: {  	s31 =	sshll.u32 s13, $0xC;
	v1 =	vshll.u32 v0, $0x5;
	v0 =	vshll.u32 v0, $0x4  }
0x24: {  	s14 =	sand.u32 $0x3FFFF000, s31;
	v1 =	vand.u32 $0x3FF00, v1;
	v0 =	vand.u32 $0x70, v0  }
0x25: {  	p0 =	por $0x1, $0x1;
	s15 =	simm.s32 $0x0;
	s14 =	sadd.s32 $0x4080, s14;
	v0 =	vor.u32 v0, v1  }
.LBB2_6:
0x26: {  	_ =	sdelay $0x1  }
0x27: {  	s15 =	sshra.s32 s15, $0x2;
	p1 =	por p0, p0  }
.Ltmp4:
0x28: {  	s15 =	sadd.s32 s15, s14;
	(pc) =	sbr.rel @p1 .LBB2_6-.Ltmp4, $4  }
0x29: {  	[tilespmem:s15], [sflag:$0x1] =	stream.indirect_vreg.gather [hbm:s2], $0x80, v0, vm0, $0x38;
	[tilespmem:$0x8080] =	vst v63  }
0x2a: {  	s15 =	sadd.s32 $0x800, s15  }
0x2b: {  	[tilespmem:s15], [sflag:$0x1] =	stream.indirect_vreg.gather [hbm:s2], $0x80, v0, vm1, $0x38;
	[tilespmem:$0x8080] =	vst v63  }
0x2c: {  	p0 =	por $0x0, $0x0;
	v0 =	vadd.s32 $0x80, v0;
	s15 =	simm.s32 $0x1000  }
0x2d: {  	s13 =	sadd.s32 $0x1, s13  }
0x2e: {  	p0 =	sne.s32 s13, $0x4  }
.Ltmp5:
0x2f: {  	_ = 	snop;
	(pc) =	sbr.rel @p0 .LBB2_5-.Ltmp5, $1  }
0x30: {  	_ =	sdelay $0x3  }
0x31: {  	s13 =	sshll.u32 s12, $0x5  }
0x32: {  	_ =	swait.ge [sflag:s5], $0x4000;
	s31 =	sshll.u32 s12, $0x4;
	s13 =	sand.u32 $0xFFFFFF00, s13  }
0x33: {  	s14 =	simm.s32 $0x100;
	s12 =	sand.u32 $0x70, s31;
	s13 =	sadd.s32 s13, s4  }
0x34: {  	s15 =	simm.s32 $0x4880;
	[sflag:s5] =	ssyncset.done $0x0;
	s12 =	sadd.s32 s12, s13  }
0x35: {  	[sflag:s5] =	ssyncadd.s32 $0xFFFFC000;
	s13 =	simm.s32 $0x4080;
	s16 =	sadd.s32 $0x0, s12  }
.LBB2_9:
0x36: {  	[hbm:s16] =	stream.linear.scatter [tilespmem:s13], [sflag:$0x3], $0x800, $0x38;
	[tilespmem:$0x8080] =	vst v63  }
0x37: {  	s16 =	smov.u32 s14;
	s13 =	smov.u32 s15;
	p0 =	sne.s32 s14, $0x700  }
.Ltmp6:
0x38: {  	s14 =	sadd.s32 $0x100, s14;
	(pc) =	sbr.rel @p0 .LBB2_9-.Ltmp6, $2  }
0x39: {  	_ =	sdelay $0x2  }
0x3a: {  	s15 =	sadd.s32 $0x800, s15;
	s16 =	sadd.s32 s16, s12  }
.Ltmp7:
0x3b: {  	_ = 	snop;
	(pc) =	sbr.rel .LBB2_10-.Ltmp7, $1  }
0x3c: {  	_ =	sdelay $0x3  }
.LBB2_2:
.Ltmp8:
0x3d: {  	(pc) =	sbr.rel .LBB2_12-.Ltmp8, $4  }
0x3e: {  	_ = 	snop  }
0x3f: {  	s12 =	sshrl.u32 s11, $0x3  }
0x40: {  	s13 =	sand.u32 $0x7, s11;
	s12 =	sadd.s32 s3, s12  }
0x41: {  	[tilespmem:s9], [sflag:$0x2] =	stream.linear.gather [hbm4b:s12+s13], $0x40, $0x38;
	[tilespmem:$0x8080] =	vst v63  }
.LBB2_13:
0x42: {  	s2 =	simm.s32 $0x3  }
0x43: {  	_ =	swait.ge [sflag:s2], $0x4000  }
0x44: {  	[sflag:s2] =	ssyncset.done $0x0  }
0x45: {  	[sflag:s2] =	ssyncadd.s32 $0xFFFFC000  }
0x46: {  	_ =	sfence.sel $0x180000  }
0x47: {  	s3 =	simm.s32 $0x2;
	[bflag:$0x0] =	sbarrier.arrive $0xFFFF  }
0x48: {  	[sflag:s3] =	ssyncpa.u1 $0x1  }
0x49: {  	s31 =	simm.s32 $0x1;
	[sflag:s2] =	ssyncpa.u1 $0x1  }
0x4a: {  	[sflag:s31] =	ssyncpa.u1 $0x1  }
0x4b: {  	p0 =	sne.s32 s1, $0x0;
	_ =	strace $0x90000047  }
0x4c: {  	s0 =	sadd.s32 @!p0 $0x100000, s0;
	[bflag:$0x2] =	sbarrier.arrive $0xFFFF  }
0x4d: {  	[sflag:s0] =	ssyncadd.tile.s32 @!p0 $0x1;
	_ =	shalt  }
.Lfunc_end2:
_tile_overlayer_lowered:
.L_overlay_start_2:
0x4e: {  	(tag) =	ssettag $0x2  }
0x4f: {  	s0 =	rddreg [dreg:$0x0];
	s2 =	stileid.u32  }
0x50: {  	s1 =	rddreg [dreg:$0x1];
	p0 =	sne.s32 s2, $0x0  }
0x51: {  	s3 =	rddreg [dreg:$0x2];
	[bflag:$0x3] =	sbarrier.arrive $0xFFFF;
	s2 =	simm.s32 @!p0 $0x1C01  }
0x52: {  	[timem:s3], [sflag:s2] =	dma.local @!p0 [hbm:s0], s1  }
0x53: {  	s0 =	simm.s32 @!p0 $0x1  }
0x54: {  	_ =	swait.ge @!p0 [sflag:s0], s1  }
0x55: {  	s1 =	ssub.s32 @!p0 $0x0, s1;
	[sflag:s0] =	ssyncset.done @!p0 $0x0  }
0x56: {  	[sflag:s0] =	ssyncadd.s32 @!p0 s1  }
0x57: {  	[bflag:$0x3] =	sbarrier.arrive $0xFFFF  }
0x58: {  	_ =	shalt  }

</sc_bundles>
